<compile_context>
chip_gen: v7x
topology: tpu7x:2x2x1
jax: 0.10.2.dev20260603
libtpu: 0.0.44.dev20260713+nightly
codegen_flags: <defaults>
</compile_context>

<pallas_src>
import functools

import jax
import jax.numpy as jnp
import numpy as np
from jax import lax
from jax.experimental import pallas as pl
from jax.experimental.pallas import tpu as pltpu
from jax.experimental.pallas import tpu_sc as plsc

B = 16384
F = 100

_NC = 2
_NS = 16
_NW = _NC * _NS
_B_PER_W = B // _NW

_K1_LO = np.uint32(1832780943)
_K1_HI = np.uint32(270669613)

_PERM_ROUND_KEYS = ((2350016172, 1168365246), (98910778, 3934144064))


def _np_threefry_xored(kd, n):
    ks_ = [np.uint32(kd[0]), np.uint32(kd[1])]
    ks_.append(np.uint32(ks_[0] ^ ks_[1] ^ np.uint32(0x1BD11BDA)))
    rot = ((13, 15, 26, 6), (17, 29, 16, 24))
    x0 = np.full(n.shape, ks_[0], dtype=np.uint32)
    x1 = (n + ks_[1]).astype(np.uint32)
    for i in range(5):
        for r in rot[i % 2]:
            x0 = (x0 + x1).astype(np.uint32)
            x1 = ((x1 << np.uint32(r)) | (x1 >> np.uint32(32 - r))).astype(np.uint32)
            x1 = (x1 ^ x0).astype(np.uint32)
        x0 = (x0 + ks_[(i + 1) % 3]).astype(np.uint32)
        x1 = (x1 + ks_[(i + 2) % 3] + np.uint32(i + 1)).astype(np.uint32)
    return (x0 ^ x1).astype(np.uint32)


def _fixed_permutation():
    old = np.seterr(over="ignore")
    perm = np.arange(B, dtype=np.int32)
    n = np.arange(B, dtype=np.uint32)
    for kd in _PERM_ROUND_KEYS:
        bits = _np_threefry_xored(kd, n)
        perm = perm[np.argsort(bits, kind="stable")]
    np.seterr(**old)
    return perm


_PERM = _fixed_permutation()


def _rotl(v, r):
    return (v << np.uint32(r)) | (v >> np.uint32(32 - r))


def _threefry_xored(n):
    ks0 = _K1_LO
    ks1 = _K1_HI
    ks2 = np.uint32(ks0 ^ ks1 ^ np.uint32(0x1BD11BDA))
    ks = (ks0, ks1, ks2)
    rots = ((13, 15, 26, 6), (17, 29, 16, 24))
    x0 = jnp.full(n.shape, ks0, dtype=jnp.uint32)
    x1 = n + ks1
    for i in range(5):
        for r in rots[i % 2]:
            x0 = x0 + x1
            x1 = _rotl(x1, r)
            x1 = x1 ^ x0
        x0 = x0 + ks[(i + 1) % 3]
        x1 = x1 + np.uint32(ks[(i + 2) % 3] + np.uint32(i + 1))
    return x0 ^ x1


def _sc_gather_kernel(x_hbm, idx_hbm, out_hbm, idx_v, rows_v, sem):
    wid = lax.axis_index("s") * _NC + lax.axis_index("c")
    base = wid * _B_PER_W
    pltpu.sync_copy(idx_hbm.at[pl.ds(base, _B_PER_W)], idx_v)
    pltpu.async_copy(x_hbm.at[idx_v], rows_v, sem).wait()
    pltpu.sync_copy(rows_v, out_hbm.at[pl.ds(base, _B_PER_W)])


_FP = 128

_sc_gather = functools.partial(
    pl.kernel,
    mesh=plsc.VectorSubcoreMesh(core_axis_name="c", subcore_axis_name="s"),
    out_type=jax.ShapeDtypeStruct((B, _FP), jnp.float32),
    scratch_types=[
        pltpu.VMEM((_B_PER_W,), jnp.int32),
        pltpu.VMEM((_B_PER_W, _FP), jnp.float32),
        pltpu.SemaphoreType.DMA,
    ],
)(_sc_gather_kernel)


def _combine_kernel(probas_ref, x_ref, xp_ref, corr_ref, mask_ref):
    n = (
        jax.lax.broadcasted_iota(jnp.uint32, (B, F), 0) * np.uint32(F)
        + jax.lax.broadcasted_iota(jnp.uint32, (B, F), 1)
    )
    bits = _threefry_xored(n)
    flo = jax.lax.bitcast_convert_type(
        (bits >> np.uint32(9)) | np.uint32(0x3F800000), jnp.float32
    )
    u = flo - jnp.float32(1.0)
    swap = u < probas_ref[0, :][None, :]

    x = x_ref[...]
    corr = jnp.where(swap, xp_ref[:, :F], x)
    corr_ref[...] = corr
    mask_ref[...] = (corr != x).astype(jnp.float32)


_FLAT_ROWS = B * F // 128


def _bits_kernel(probas_ref, swap_ref):
    n = (
        jax.lax.broadcasted_iota(jnp.uint32, (B, F), 0) * np.uint32(F)
        + jax.lax.broadcasted_iota(jnp.uint32, (B, F), 1)
    )
    bits = _threefry_xored(n)
    flo = jax.lax.bitcast_convert_type(
        (bits >> np.uint32(9)) | np.uint32(0x3F800000), jnp.float32
    )
    u = flo - jnp.float32(1.0)
    swap_ref[...] = (u < probas_ref[0, :][None, :]).astype(jnp.uint8)


def _select_kernel(swap_ref, x_ref, xp_ref, corr_ref, mask_ref):
    x = x_ref[...]
    swap = swap_ref[...] != jnp.uint8(0)
    corr = jnp.where(swap, xp_ref[:, :F], x)
    corr_ref[...] = corr
    mask_ref[...] = (corr != x).astype(jnp.float32)


_NBLK = 8
_BR = B // _NBLK


def kernel(x, probas):
    swap = pl.pallas_call(
        _bits_kernel,
        out_shape=jax.ShapeDtypeStruct((B, F), jnp.uint8),
    )(probas.reshape(1, F))

    perm = jnp.asarray(_PERM)
    xpad = jnp.pad(x, ((0, 0), (0, _FP - F)))
    xperm = _sc_gather(xpad, perm)

    corr, mask = pl.pallas_call(
        _select_kernel,
        out_shape=(
            jax.ShapeDtypeStruct((B, F), jnp.float32),
            jax.ShapeDtypeStruct((B, F), jnp.float32),
        ),
    )(swap, x, xperm)
    return (corr, mask)

# --- scband reference (transcript-rebuilt; emitter-appended) ---
"""Pipeline reference for scband-swap-noise-corrupter-22866405883943 (READ-ONLY COPY).

The authoritative reference and input builder live on the scoring server;
editing this copy changes nothing except your own understanding.
"""

import jax, jax.numpy as jnp
import numpy as np

B = 16384
F = 100


def setup_inputs(seed: int = 0) -> dict:
    key = jax.random.key(seed)
    kx, = jax.random.split(key, 1)
    x = jax.random.normal(kx, (B, F), dtype=jnp.float32)
    probas = jnp.full((F,), 0.15, dtype=jnp.float32)
    return {"x": x, "probas": probas}


def reference(x, probas):
    # Faithful JAX translation of SwapNoiseCorrupter.forward.
    # torch.bernoulli(probas * ones_like(x)) -> jax.random.bernoulli with per-column p
    # x[torch.randperm(B)]                   -> row-permutation gather
    # Randomness is determinized with a fixed key.
    key = jax.random.key(42)
    k1, k2 = jax.random.split(key)
    p = probas.astype(jnp.float32) * jnp.ones(x.shape, dtype=jnp.float32)
    should_swap = jax.random.bernoulli(k1, p)  # bool[B, F]
    perm = jax.random.permutation(k2, x.shape[0])  # int[B]
    x_perm = jnp.take(x, perm, axis=0)  # gather rows
    corrupted_x = jnp.where(should_swap, x_perm, x)
    mask = (corrupted_x != x).astype(jnp.float32)
    return (corrupted_x, mask)

if __name__ == "__main__":
    import jax
    _d = setup_inputs()
    print(jax.jit(kernel)(*tuple(_d.values())))

</pallas_src>

<mosaic_0001>
#map = affine_map<(d0, d1) -> (0, 0)>
#map1 = affine_map<(d0, d1) -> (0)>
module attributes {stable_mosaic.version = 14 : i64} {
  func.func @_sc_gather_kernel(%arg0: i32, %arg1: i32, %arg2: memref<16384x128xf32, #tpu.memory_space<hbm>>, %arg3: memref<16384xi32, #tpu.memory_space<hbm>>, %arg4: memref<16384x128xf32, #tpu.memory_space<hbm>>, %arg5: memref<512xi32, #tpu.memory_space<vmem>>, %arg6: memref<512x128xf32, #tpu.memory_space<vmem>>, %arg7: memref<!tpu.dma_semaphore, #tpu.memory_space<semaphore_mem>>) attributes {dimension_semantics = [#tpu.dimension_semantics<core_parallel>, #tpu.dimension_semantics<subcore_parallel>], iteration_bounds = array<i64: 2, 16>, scalar_prefetch = 0 : i64, scratch_operands = 3 : i64, tpu.core_type = #tpu.core_type<sc_vector_subcore>, window_params = [{transform_indices = #map}, {transform_indices = #map1}, {transform_indices = #map}]} {
    %mul3A = arith.constant 2 : i32
    %mul3A_0 = arith.muli %arg1, %mul3A : i32
    %add3A = arith.addi %mul3A_0, %arg0 : i32
    %mul3A_1 = arith.constant 512 : i32
    %mul3A_2 = arith.muli %add3A, %mul3A_1 : i32
    "tpu.region"() ({
      %run_scoped3A = tpu.sem_alloc : memref<!tpu.dma_semaphore, #tpu.memory_space<semaphore_mem>>
      %dma_start3A_7 = tpu.memref_slice %arg3[%mul3A_2] : memref<16384xi32, #tpu.memory_space<hbm>> -> memref<512xi32, #tpu.memory_space<hbm>>
      %dma_start3A_8 = tpu.memref_slice %arg3[%mul3A_2] : memref<16384xi32, #tpu.memory_space<hbm>> -> memref<512xi32, #tpu.memory_space<hbm>>
      tpu.enqueue_dma source(%dma_start3A_8 : memref<512xi32, #tpu.memory_space<hbm>>) target(%arg5 : memref<512xi32, #tpu.memory_space<vmem>>) target_semaphore(%run_scoped3A : memref<!tpu.dma_semaphore, #tpu.memory_space<semaphore_mem>>)
      %dma_wait3A_9 = tpu.memref_slice %arg3[%mul3A_2] : memref<16384xi32, #tpu.memory_space<hbm>> -> memref<512xi32, #tpu.memory_space<hbm>>
      %dma_wait3A_10 = tpu.memref_slice %arg3[%mul3A_2] : memref<16384xi32, #tpu.memory_space<hbm>> -> memref<512xi32, #tpu.memory_space<hbm>>
      tpu.wait_dma2 semaphore(%run_scoped3A : memref<!tpu.dma_semaphore, #tpu.memory_space<semaphore_mem>>) src(%dma_wait3A_10 : memref<512xi32, #tpu.memory_space<hbm>>) dst(%arg5 : memref<512xi32, #tpu.memory_space<vmem>>)
      tpu.yield
    }) : () -> ()
    %dma_start3A = arith.constant 0 : i32
    %dma_start3A_3 = arith.constant 0 : i32
    %dma_start3A_4 = tpu.memref_slice %arg2[%dma_start3A, %dma_start3A_3] : memref<16384x128xf32, #tpu.memory_space<hbm>> -> memref<16384x128xf32, #tpu.memory_space<hbm>>
    tpu.enqueue_indirect_dma source(%dma_start3A_4 : memref<16384x128xf32, #tpu.memory_space<hbm>>) target(%arg6 : memref<512x128xf32, #tpu.memory_space<vmem>>) offsets(%arg5 : memref<512xi32, #tpu.memory_space<vmem>>) semaphore(%arg7 : memref<!tpu.dma_semaphore, #tpu.memory_space<semaphore_mem>>)
    %dma_wait3A = arith.constant 0 : i32
    %dma_wait3A_5 = arith.constant 0 : i32
    %dma_wait3A_6 = tpu.memref_slice %arg2[%dma_wait3A, %dma_wait3A_5] : memref<16384x128xf32, #tpu.memory_space<hbm>> -> memref<16384x128xf32, #tpu.memory_space<hbm>>
    tpu.wait_indirect_dma semaphore(%arg7 : memref<!tpu.dma_semaphore, #tpu.memory_space<semaphore_mem>>) src(%dma_wait3A_6 : memref<16384x128xf32, #tpu.memory_space<hbm>>) dst(%arg6 : memref<512x128xf32, #tpu.memory_space<vmem>>)
    "tpu.region"() ({
      %run_scoped3A = tpu.sem_alloc : memref<!tpu.dma_semaphore, #tpu.memory_space<semaphore_mem>>
      %dma_start3A_7 = arith.constant 0 : i32
      %dma_start3A_8 = tpu.memref_slice %arg4[%mul3A_2, %dma_start3A_7] : memref<16384x128xf32, #tpu.memory_space<hbm>> -> memref<512x128xf32, #tpu.memory_space<hbm>>
      %dma_start3A_9 = arith.constant 0 : i32
      %dma_start3A_10 = tpu.memref_slice %arg4[%mul3A_2, %dma_start3A_9] : memref<16384x128xf32, #tpu.memory_space<hbm>> -> memref<512x128xf32, #tpu.memory_space<hbm>>
      tpu.enqueue_dma source(%arg6 : memref<512x128xf32, #tpu.memory_space<vmem>>) target(%dma_start3A_10 : memref<512x128xf32, #tpu.memory_space<hbm>>) target_semaphore(%run_scoped3A : memref<!tpu.dma_semaphore, #tpu.memory_space<semaphore_mem>>)
      %dma_wait3A_11 = arith.constant 0 : i32
      %dma_wait3A_12 = tpu.memref_slice %arg4[%mul3A_2, %dma_wait3A_11] : memref<16384x128xf32, #tpu.memory_space<hbm>> -> memref<512x128xf32, #tpu.memory_space<hbm>>
      %dma_wait3A_13 = arith.constant 0 : i32
      %dma_wait3A_14 = tpu.memref_slice %arg4[%mul3A_2, %dma_wait3A_13] : memref<16384x128xf32, #tpu.memory_space<hbm>> -> memref<512x128xf32, #tpu.memory_space<hbm>>
      tpu.wait_dma2 semaphore(%run_scoped3A : memref<!tpu.dma_semaphore, #tpu.memory_space<semaphore_mem>>) src(%arg6 : memref<512x128xf32, #tpu.memory_space<vmem>>) dst(%dma_wait3A_14 : memref<512x128xf32, #tpu.memory_space<hbm>>)
      tpu.yield
    }) : () -> ()
    return
  }
}

module attributes {stable_mosaic.version = 14 : i64} {
  func.func @_bits_kernel(%arg0: memref<1x100xf32, #tpu.memory_space<vmem>>, %arg1: memref<16384x100xi8, #tpu.memory_space<vmem>>) attributes {dimension_semantics = [], scalar_prefetch = 0 : i64, scratch_operands = 0 : i64, tpu.core_type = #tpu.core_type<tc>} {
    %iota3A = tpu.iota {dimensions = array<i32: 0>} : vector<16384x100xi32>
    %mul3A = arith.constant 100 : i32
    %mul3A_0 = vector.broadcast %mul3A : i32 to vector<16384x100xi32>
    %mul3A_1 = arith.muli %iota3A, %mul3A_0 : vector<16384x100xi32>
    %iota3A_2 = tpu.iota {dimensions = array<i32: 1>} : vector<16384x100xi32>
    %add3A = arith.addi %mul3A_1, %iota3A_2 : vector<16384x100xi32>
    %broadcast_in_dim3A = arith.constant 1832780943 : i32
    %broadcast_in_dim3A_3 = vector.broadcast %broadcast_in_dim3A : i32 to vector<16384x100xi32>
    %add3A_4 = arith.constant 270669613 : i32
    %add3A_5 = vector.broadcast %add3A_4 : i32 to vector<16384x100xi32>
    %add3A_6 = arith.addi %add3A, %add3A_5 : vector<16384x100xi32>
    %add3A_7 = arith.addi %broadcast_in_dim3A_3, %add3A_6 : vector<16384x100xi32>
    %shift_left3A = arith.constant 13 : i32
    %shift_left3A_8 = vector.broadcast %shift_left3A : i32 to vector<16384x100xi32>
    %shift_left3A_9 = arith.shli %add3A_6, %shift_left3A_8 : vector<16384x100xi32>
    %shift_right_logical3A = arith.constant 19 : i32
    %shift_right_logical3A_10 = vector.broadcast %shift_right_logical3A : i32 to vector<16384x100xi32>
    %shift_right_logical3A_11 = arith.shrui %add3A_6, %shift_right_logical3A_10 : vector<16384x100xi32>
    %or3A = arith.ori %shift_left3A_9, %shift_right_logical3A_11 : vector<16384x100xi32>
    %xor3A = arith.xori %or3A, %add3A_7 : vector<16384x100xi32>
    %add3A_12 = arith.addi %add3A_7, %xor3A : vector<16384x100xi32>
    %shift_left3A_13 = arith.constant 15 : i32
    %shift_left3A_14 = vector.broadcast %shift_left3A_13 : i32 to vector<16384x100xi32>
    %shift_left3A_15 = arith.shli %xor3A, %shift_left3A_14 : vector<16384x100xi32>
    %shift_right_logical3A_16 = arith.constant 17 : i32
    %shift_right_logical3A_17 = vector.broadcast %shift_right_logical3A_16 : i32 to vector<16384x100xi32>
    %shift_right_logical3A_18 = arith.shrui %xor3A, %shift_right_logical3A_17 : vector<16384x100xi32>
    %or3A_19 = arith.ori %shift_left3A_15, %shift_right_logical3A_18 : vector<16384x100xi32>
    %xor3A_20 = arith.xori %or3A_19, %add3A_12 : vector<16384x100xi32>
    %add3A_21 = arith.addi %add3A_12, %xor3A_20 : vector<16384x100xi32>
    %shift_left3A_22 = arith.constant 26 : i32
    %shift_left3A_23 = vector.broadcast %shift_left3A_22 : i32 to vector<16384x100xi32>
    %shift_left3A_24 = arith.shli %xor3A_20, %shift_left3A_23 : vector<16384x100xi32>
    %shift_right_logical3A_25 = arith.constant 6 : i32
    %shift_right_logical3A_26 = vector.broadcast %shift_right_logical3A_25 : i32 to vector<16384x100xi32>
    %shift_right_logical3A_27 = arith.shrui %xor3A_20, %shift_right_logical3A_26 : vector<16384x100xi32>
    %or3A_28 = arith.ori %shift_left3A_24, %shift_right_logical3A_27 : vector<16384x100xi32>
    %xor3A_29 = arith.xori %or3A_28, %add3A_21 : vector<16384x100xi32>
    %add3A_30 = arith.addi %add3A_21, %xor3A_29 : vector<16384x100xi32>
    %shift_left3A_31 = arith.constant 6 : i32
    %shift_left3A_32 = vector.broadcast %shift_left3A_31 : i32 to vector<16384x100xi32>
    %shift_left3A_33 = arith.shli %xor3A_29, %shift_left3A_32 : vector<16384x100xi32>
    %shift_right_logical3A_34 = arith.constant 26 : i32
    %shift_right_logical3A_35 = vector.broadcast %shift_right_logical3A_34 : i32 to vector<16384x100xi32>
    %shift_right_logical3A_36 = arith.shrui %xor3A_29, %shift_right_logical3A_35 : vector<16384x100xi32>
    %or3A_37 = arith.ori %shift_left3A_33, %shift_right_logical3A_36 : vector<16384x100xi32>
    %xor3A_38 = arith.xori %or3A_37, %add3A_30 : vector<16384x100xi32>
    %add3A_39 = arith.constant 270669613 : i32
    %add3A_40 = vector.broadcast %add3A_39 : i32 to vector<16384x100xi32>
    %add3A_41 = arith.addi %add3A_30, %add3A_40 : vector<16384x100xi32>
    %add3A_42 = arith.constant 1724713081 : i32
    %add3A_43 = vector.broadcast %add3A_42 : i32 to vector<16384x100xi32>
    %add3A_44 = arith.addi %xor3A_38, %add3A_43 : vector<16384x100xi32>
    %add3A_45 = arith.addi %add3A_41, %add3A_44 : vector<16384x100xi32>
    %shift_left3A_46 = arith.constant 17 : i32
    %shift_left3A_47 = vector.broadcast %shift_left3A_46 : i32 to vector<16384x100xi32>
    %shift_left3A_48 = arith.shli %add3A_44, %shift_left3A_47 : vector<16384x100xi32>
    %shift_right_logical3A_49 = arith.constant 15 : i32
    %shift_right_logical3A_50 = vector.broadcast %shift_right_logical3A_49 : i32 to vector<16384x100xi32>
    %shift_right_logical3A_51 = arith.shrui %add3A_44, %shift_right_logical3A_50 : vector<16384x100xi32>
    %or3A_52 = arith.ori %shift_left3A_48, %shift_right_logical3A_51 : vector<16384x100xi32>
    %xor3A_53 = arith.xori %or3A_52, %add3A_45 : vector<16384x100xi32>
    %add3A_54 = arith.addi %add3A_45, %xor3A_53 : vector<16384x100xi32>
    %shift_left3A_55 = arith.constant 29 : i32
    %shift_left3A_56 = vector.broadcast %shift_left3A_55 : i32 to vector<16384x100xi32>
    %shift_left3A_57 = arith.shli %xor3A_53, %shift_left3A_56 : vector<16384x100xi32>
    %shift_right_logical3A_58 = arith.constant 3 : i32
    %shift_right_logical3A_59 = vector.broadcast %shift_right_logical3A_58 : i32 to vector<16384x100xi32>
    %shift_right_logical3A_60 = arith.shrui %xor3A_53, %shift_right_logical3A_59 : vector<16384x100xi32>
    %or3A_61 = arith.ori %shift_left3A_57, %shift_right_logical3A_60 : vector<16384x100xi32>
    %xor3A_62 = arith.xori %or3A_61, %add3A_54 : vector<16384x100xi32>
    %add3A_63 = arith.addi %add3A_54, %xor3A_62 : vector<16384x100xi32>
    %shift_left3A_64 = arith.constant 16 : i32
    %shift_left3A_65 = vector.broadcast %shift_left3A_64 : i32 to vector<16384x100xi32>
    %shift_left3A_66 = arith.shli %xor3A_62, %shift_left3A_65 : vector<16384x100xi32>
    %shift_right_logical3A_67 = arith.constant 16 : i32
    %shift_right_logical3A_68 = vector.broadcast %shift_right_logical3A_67 : i32 to vector<16384x100xi32>
    %shift_right_logical3A_69 = arith.shrui %xor3A_62, %shift_right_logical3A_68 : vector<16384x100xi32>
    %or3A_70 = arith.ori %shift_left3A_66, %shift_right_logical3A_69 : vector<16384x100xi32>
    %xor3A_71 = arith.xori %or3A_70, %add3A_63 : vector<16384x100xi32>
    %add3A_72 = arith.addi %add3A_63, %xor3A_71 : vector<16384x100xi32>
    %shift_left3A_73 = arith.constant 24 : i32
    %shift_left3A_74 = vector.broadcast %shift_left3A_73 : i32 to vector<16384x100xi32>
    %shift_left3A_75 = arith.shli %xor3A_71, %shift_left3A_74 : vector<16384x100xi32>
    %shift_right_logical3A_76 = arith.constant 8 : i32
    %shift_right_logical3A_77 = vector.broadcast %shift_right_logical3A_76 : i32 to vector<16384x100xi32>
    %shift_right_logical3A_78 = arith.shrui %xor3A_71, %shift_right_logical3A_77 : vector<16384x100xi32>
    %or3A_79 = arith.ori %shift_left3A_75, %shift_right_logical3A_78 : vector<16384x100xi32>
    %xor3A_80 = arith.xori %or3A_79, %add3A_72 : vector<16384x100xi32>
    %add3A_81 = arith.constant 1724713080 : i32
    %add3A_82 = vector.broadcast %add3A_81 : i32 to vector<16384x100xi32>
    %add3A_83 = arith.addi %add3A_72, %add3A_82 : vector<16384x100xi32>
    %add3A_84 = arith.constant 1832780945 : i32
    %add3A_85 = vector.broadcast %add3A_84 : i32 to vector<16384x100xi32>
    %add3A_86 = arith.addi %xor3A_80, %add3A_85 : vector<16384x100xi32>
    %add3A_87 = arith.addi %add3A_83, %add3A_86 : vector<16384x100xi32>
    %shift_left3A_88 = arith.constant 13 : i32
    %shift_left3A_89 = vector.broadcast %shift_left3A_88 : i32 to vector<16384x100xi32>
    %shift_left3A_90 = arith.shli %add3A_86, %shift_left3A_89 : vector<16384x100xi32>
    %shift_right_logical3A_91 = arith.constant 19 : i32
    %shift_right_logical3A_92 = vector.broadcast %shift_right_logical3A_91 : i32 to vector<16384x100xi32>
    %shift_right_logical3A_93 = arith.shrui %add3A_86, %shift_right_logical3A_92 : vector<16384x100xi32>
    %or3A_94 = arith.ori %shift_left3A_90, %shift_right_logical3A_93 : vector<16384x100xi32>
    %xor3A_95 = arith.xori %or3A_94, %add3A_87 : vector<16384x100xi32>
    %add3A_96 = arith.addi %add3A_87, %xor3A_95 : vector<16384x100xi32>
    %shift_left3A_97 = arith.constant 15 : i32
    %shift_left3A_98 = vector.broadcast %shift_left3A_97 : i32 to vector<16384x100xi32>
    %shift_left3A_99 = arith.shli %xor3A_95, %shift_left3A_98 : vector<16384x100xi32>
    %shift_right_logical3A_100 = arith.constant 17 : i32
    %shift_right_logical3A_101 = vector.broadcast %shift_right_logical3A_100 : i32 to vector<16384x100xi32>
    %shift_right_logical3A_102 = arith.shrui %xor3A_95, %shift_right_logical3A_101 : vector<16384x100xi32>
    %or3A_103 = arith.ori %shift_left3A_99, %shift_right_logical3A_102 : vector<16384x100xi32>
    %xor3A_104 = arith.xori %or3A_103, %add3A_96 : vector<16384x100xi32>
    %add3A_105 = arith.addi %add3A_96, %xor3A_104 : vector<16384x100xi32>
    %shift_left3A_106 = arith.constant 26 : i32
    %shift_left3A_107 = vector.broadcast %shift_left3A_106 : i32 to vector<16384x100xi32>
    %shift_left3A_108 = arith.shli %xor3A_104, %shift_left3A_107 : vector<16384x100xi32>
    %shift_right_logical3A_109 = arith.constant 6 : i32
    %shift_right_logical3A_110 = vector.broadcast %shift_right_logical3A_109 : i32 to vector<16384x100xi32>
    %shift_right_logical3A_111 = arith.shrui %xor3A_104, %shift_right_logical3A_110 : vector<16384x100xi32>
    %or3A_112 = arith.ori %shift_left3A_108, %shift_right_logical3A_111 : vector<16384x100xi32>
    %xor3A_113 = arith.xori %or3A_112, %add3A_105 : vector<16384x100xi32>
    %add3A_114 = arith.addi %add3A_105, %xor3A_113 : vector<16384x100xi32>
    %shift_left3A_115 = arith.constant 6 : i32
    %shift_left3A_116 = vector.broadcast %shift_left3A_115 : i32 to vector<16384x100xi32>
    %shift_left3A_117 = arith.shli %xor3A_113, %shift_left3A_116 : vector<16384x100xi32>
    %shift_right_logical3A_118 = arith.constant 26 : i32
    %shift_right_logical3A_119 = vector.broadcast %shift_right_logical3A_118 : i32 to vector<16384x100xi32>
    %shift_right_logical3A_120 = arith.shrui %xor3A_113, %shift_right_logical3A_119 : vector<16384x100xi32>
    %or3A_121 = arith.ori %shift_left3A_117, %shift_right_logical3A_120 : vector<16384x100xi32>
    %xor3A_122 = arith.xori %or3A_121, %add3A_114 : vector<16384x100xi32>
    %add3A_123 = arith.constant 1832780943 : i32
    %add3A_124 = vector.broadcast %add3A_123 : i32 to vector<16384x100xi32>
    %add3A_125 = arith.addi %add3A_114, %add3A_124 : vector<16384x100xi32>
    %add3A_126 = arith.constant 270669616 : i32
    %add3A_127 = vector.broadcast %add3A_126 : i32 to vector<16384x100xi32>
    %add3A_128 = arith.addi %xor3A_122, %add3A_127 : vector<16384x100xi32>
    %add3A_129 = arith.addi %add3A_125, %add3A_128 : vector<16384x100xi32>
    %shift_left3A_130 = arith.constant 17 : i32
    %shift_left3A_131 = vector.broadcast %shift_left3A_130 : i32 to vector<16384x100xi32>
    %shift_left3A_132 = arith.shli %add3A_128, %shift_left3A_131 : vector<16384x100xi32>
    %shift_right_logical3A_133 = arith.constant 15 : i32
    %shift_right_logical3A_134 = vector.broadcast %shift_right_logical3A_133 : i32 to vector<16384x100xi32>
    %shift_right_logical3A_135 = arith.shrui %add3A_128, %shift_right_logical3A_134 : vector<16384x100xi32>
    %or3A_136 = arith.ori %shift_left3A_132, %shift_right_logical3A_135 : vector<16384x100xi32>
    %xor3A_137 = arith.xori %or3A_136, %add3A_129 : vector<16384x100xi32>
    %add3A_138 = arith.addi %add3A_129, %xor3A_137 : vector<16384x100xi32>
    %shift_left3A_139 = arith.constant 29 : i32
    %shift_left3A_140 = vector.broadcast %shift_left3A_139 : i32 to vector<16384x100xi32>
    %shift_left3A_141 = arith.shli %xor3A_137, %shift_left3A_140 : vector<16384x100xi32>
    %shift_right_logical3A_142 = arith.constant 3 : i32
    %shift_right_logical3A_143 = vector.broadcast %shift_right_logical3A_142 : i32 to vector<16384x100xi32>
    %shift_right_logical3A_144 = arith.shrui %xor3A_137, %shift_right_logical3A_143 : vector<16384x100xi32>
    %or3A_145 = arith.ori %shift_left3A_141, %shift_right_logical3A_144 : vector<16384x100xi32>
    %xor3A_146 = arith.xori %or3A_145, %add3A_138 : vector<16384x100xi32>
    %add3A_147 = arith.addi %add3A_138, %xor3A_146 : vector<16384x100xi32>
    %shift_left3A_148 = arith.constant 16 : i32
    %shift_left3A_149 = vector.broadcast %shift_left3A_148 : i32 to vector<16384x100xi32>
    %shift_left3A_150 = arith.shli %xor3A_146, %shift_left3A_149 : vector<16384x100xi32>
    %shift_right_logical3A_151 = arith.constant 16 : i32
    %shift_right_logical3A_152 = vector.broadcast %shift_right_logical3A_151 : i32 to vector<16384x100xi32>
    %shift_right_logical3A_153 = arith.shrui %xor3A_146, %shift_right_logical3A_152 : vector<16384x100xi32>
    %or3A_154 = arith.ori %shift_left3A_150, %shift_right_logical3A_153 : vector<16384x100xi32>
    %xor3A_155 = arith.xori %or3A_154, %add3A_147 : vector<16384x100xi32>
    %add3A_156 = arith.addi %add3A_147, %xor3A_155 : vector<16384x100xi32>
    %shift_left3A_157 = arith.constant 24 : i32
    %shift_left3A_158 = vector.broadcast %shift_left3A_157 : i32 to vector<16384x100xi32>
    %shift_left3A_159 = arith.shli %xor3A_155, %shift_left3A_158 : vector<16384x100xi32>
    %shift_right_logical3A_160 = arith.constant 8 : i32
    %shift_right_logical3A_161 = vector.broadcast %shift_right_logical3A_160 : i32 to vector<16384x100xi32>
    %shift_right_logical3A_162 = arith.shrui %xor3A_155, %shift_right_logical3A_161 : vector<16384x100xi32>
    %or3A_163 = arith.ori %shift_left3A_159, %shift_right_logical3A_162 : vector<16384x100xi32>
    %xor3A_164 = arith.xori %or3A_163, %add3A_156 : vector<16384x100xi32>
    %add3A_165 = arith.constant 270669613 : i32
    %add3A_166 = vector.broadcast %add3A_165 : i32 to vector<16384x100xi32>
    %add3A_167 = arith.addi %add3A_156, %add3A_166 : vector<16384x100xi32>
    %add3A_168 = arith.constant 1724713084 : i32
    %add3A_169 = vector.broadcast %add3A_168 : i32 to vector<16384x100xi32>
    %add3A_170 = arith.addi %xor3A_164, %add3A_169 : vector<16384x100xi32>
    %add3A_171 = arith.addi %add3A_167, %add3A_170 : vector<16384x100xi32>
    %shift_left3A_172 = arith.constant 13 : i32
    %shift_left3A_173 = vector.broadcast %shift_left3A_172 : i32 to vector<16384x100xi32>
    %shift_left3A_174 = arith.shli %add3A_170, %shift_left3A_173 : vector<16384x100xi32>
    %shift_right_logical3A_175 = arith.constant 19 : i32
    %shift_right_logical3A_176 = vector.broadcast %shift_right_logical3A_175 : i32 to vector<16384x100xi32>
    %shift_right_logical3A_177 = arith.shrui %add3A_170, %shift_right_logical3A_176 : vector<16384x100xi32>
    %or3A_178 = arith.ori %shift_left3A_174, %shift_right_logical3A_177 : vector<16384x100xi32>
    %xor3A_179 = arith.xori %or3A_178, %add3A_171 : vector<16384x100xi32>
    %add3A_180 = arith.addi %add3A_171, %xor3A_179 : vector<16384x100xi32>
    %shift_left3A_181 = arith.constant 15 : i32
    %shift_left3A_182 = vector.broadcast %shift_left3A_181 : i32 to vector<16384x100xi32>
    %shift_left3A_183 = arith.shli %xor3A_179, %shift_left3A_182 : vector<16384x100xi32>
    %shift_right_logical3A_184 = arith.constant 17 : i32
    %shift_right_logical3A_185 = vector.broadcast %shift_right_logical3A_184 : i32 to vector<16384x100xi32>
    %shift_right_logical3A_186 = arith.shrui %xor3A_179, %shift_right_logical3A_185 : vector<16384x100xi32>
    %or3A_187 = arith.ori %shift_left3A_183, %shift_right_logical3A_186 : vector<16384x100xi32>
    %xor3A_188 = arith.xori %or3A_187, %add3A_180 : vector<16384x100xi32>
    %add3A_189 = arith.addi %add3A_180, %xor3A_188 : vector<16384x100xi32>
    %shift_left3A_190 = arith.constant 26 : i32
    %shift_left3A_191 = vector.broadcast %shift_left3A_190 : i32 to vector<16384x100xi32>
    %shift_left3A_192 = arith.shli %xor3A_188, %shift_left3A_191 : vector<16384x100xi32>
    %shift_right_logical3A_193 = arith.constant 6 : i32
    %shift_right_logical3A_194 = vector.broadcast %shift_right_logical3A_193 : i32 to vector<16384x100xi32>
    %shift_right_logical3A_195 = arith.shrui %xor3A_188, %shift_right_logical3A_194 : vector<16384x100xi32>
    %or3A_196 = arith.ori %shift_left3A_192, %shift_right_logical3A_195 : vector<16384x100xi32>
    %xor3A_197 = arith.xori %or3A_196, %add3A_189 : vector<16384x100xi32>
    %add3A_198 = arith.addi %add3A_189, %xor3A_197 : vector<16384x100xi32>
    %shift_left3A_199 = arith.constant 6 : i32
    %shift_left3A_200 = vector.broadcast %shift_left3A_199 : i32 to vector<16384x100xi32>
    %shift_left3A_201 = arith.shli %xor3A_197, %shift_left3A_200 : vector<16384x100xi32>
    %shift_right_logical3A_202 = arith.constant 26 : i32
    %shift_right_logical3A_203 = vector.broadcast %shift_right_logical3A_202 : i32 to vector<16384x100xi32>
    %shift_right_logical3A_204 = arith.shrui %xor3A_197, %shift_right_logical3A_203 : vector<16384x100xi32>
    %or3A_205 = arith.ori %shift_left3A_201, %shift_right_logical3A_204 : vector<16384x100xi32>
    %xor3A_206 = arith.xori %or3A_205, %add3A_198 : vector<16384x100xi32>
    %add3A_207 = arith.constant 1724713080 : i32
    %add3A_208 = vector.broadcast %add3A_207 : i32 to vector<16384x100xi32>
    %add3A_209 = arith.addi %add3A_198, %add3A_208 : vector<16384x100xi32>
    %add3A_210 = arith.constant 1832780948 : i32
    %add3A_211 = vector.broadcast %add3A_210 : i32 to vector<16384x100xi32>
    %add3A_212 = arith.addi %xor3A_206, %add3A_211 : vector<16384x100xi32>
    %xor3A_213 = arith.xori %add3A_209, %add3A_212 : vector<16384x100xi32>
    %shift_right_logical3A_214 = arith.constant 9 : i32
    %shift_right_logical3A_215 = vector.broadcast %shift_right_logical3A_214 : i32 to vector<16384x100xi32>
    %shift_right_logical3A_216 = arith.shrui %xor3A_213, %shift_right_logical3A_215 : vector<16384x100xi32>
    %or3A_217 = arith.constant 1065353216 : i32
    %or3A_218 = vector.broadcast %or3A_217 : i32 to vector<16384x100xi32>
    %or3A_219 = arith.ori %shift_right_logical3A_216, %or3A_218 : vector<16384x100xi32>
    %bitcast_convert_type3A = tpu.bitcast %or3A_219 : vector<16384x100xi32> -> vector<16384x100xf32>
    %sub3A = arith.constant 1.000000e+00 : f32
    %sub3A_220 = vector.broadcast %sub3A : f32 to vector<16384x100xf32>
    %sub3A_221 = arith.subf %bitcast_convert_type3A, %sub3A_220 : vector<16384x100xf32>
    %get3A = arith.constant 0 : index
    %get3A_222 = arith.constant 0 : index
    %get3A_223 = vector.load %arg0[%get3A, %get3A_222] : memref<1x100xf32, #tpu.memory_space<vmem>>, vector<1x100xf32>
    %get3A_224 = vector.shape_cast %get3A_223 : vector<1x100xf32> to vector<100xf32>
    %broadcast_in_dim3A_225 = vector.shape_cast %get3A_224 : vector<100xf32> to vector<1x100xf32>
    %lt3A = vector.broadcast %broadcast_in_dim3A_225 : vector<1x100xf32> to vector<16384x100xf32>
    %lt3A_226 = arith.cmpf olt, %sub3A_221, %lt3A : vector<16384x100xf32>
    %convert_element_type3A = arith.extui %lt3A_226 : vector<16384x100xi1> to vector<16384x100xi8>
    %swap3A = arith.constant 0 : index
    %swap3A_227 = arith.constant 0 : index
    %swap3A_228 = vector.load %arg1[%swap3A, %swap3A_227] : memref<16384x100xi8, #tpu.memory_space<vmem>>, vector<16384x100xi8>
    tpu.vector_store %arg1[%swap3A, %swap3A_227], %convert_element_type3A {strides = array<i32>} : memref<16384x100xi8, #tpu.memory_space<vmem>>, vector<16384x100xi8>,
    return
  }
}

module attributes {stable_mosaic.version = 14 : i64} {
  func.func @_select_kernel(%arg0: memref<16384x100xi8, #tpu.memory_space<vmem>>, %arg1: memref<16384x100xf32, #tpu.memory_space<vmem>>, %arg2: memref<16384x128xf32, #tpu.memory_space<vmem>>, %arg3: memref<16384x100xf32, #tpu.memory_space<vmem>>, %arg4: memref<16384x100xf32, #tpu.memory_space<vmem>>) attributes {dimension_semantics = [], scalar_prefetch = 0 : i64, scratch_operands = 0 : i64, tpu.core_type = #tpu.core_type<tc>} {
    %get3A = arith.constant 0 : index
    %get3A_0 = arith.constant 0 : index
    %get3A_1 = vector.load %arg1[%get3A, %get3A_0] : memref<16384x100xf32, #tpu.memory_space<vmem>>, vector<16384x100xf32>
    %get3A_2 = arith.constant 0 : index
    %get3A_3 = arith.constant 0 : index
    %get3A_4 = vector.load %arg0[%get3A_2, %get3A_3] : memref<16384x100xi8, #tpu.memory_space<vmem>>, vector<16384x100xi8>
    %ne3A = arith.constant 0 : i8
    %ne3A_5 = vector.broadcast %ne3A : i8 to vector<16384x100xi8>
    %ne3A_6 = arith.cmpi ne, %get3A_4, %ne3A_5 : vector<16384x100xi8>
    %get3A_7 = arith.constant 0 : index
    %get3A_8 = arith.constant 0 : index
    %get3A_9 = vector.load %arg2[%get3A_7, %get3A_8] : memref<16384x128xf32, #tpu.memory_space<vmem>>, vector<16384x100xf32>
    %select_n3A = arith.select %ne3A_6, %get3A_9, %get3A_1 : vector<16384x100xi1>, vector<16384x100xf32>
    %swap3A = arith.constant 0 : index
    %swap3A_10 = arith.constant 0 : index
    %swap3A_11 = vector.load %arg3[%swap3A, %swap3A_10] : memref<16384x100xf32, #tpu.memory_space<vmem>>, vector<16384x100xf32>
    tpu.vector_store %arg3[%swap3A, %swap3A_10], %select_n3A {strides = array<i32>} : memref<16384x100xf32, #tpu.memory_space<vmem>>, vector<16384x100xf32>,
    %ne3A_12 = arith.cmpf one, %select_n3A, %get3A_1 : vector<16384x100xf32>
    %convert_element_type3A = arith.extui %ne3A_12 : vector<16384x100xi1> to vector<16384x100xi32>
    %convert_element_type3A_13 = arith.sitofp %convert_element_type3A : vector<16384x100xi32> to vector<16384x100xf32>
    %swap3A_14 = arith.constant 0 : index
    %swap3A_15 = arith.constant 0 : index
    %swap3A_16 = vector.load %arg4[%swap3A_14, %swap3A_15] : memref<16384x100xf32, #tpu.memory_space<vmem>>, vector<16384x100xf32>
    tpu.vector_store %arg4[%swap3A_14, %swap3A_15], %convert_element_type3A_13 {strides = array<i32>} : memref<16384x100xf32, #tpu.memory_space<vmem>>, vector<16384x100xf32>,
    return
  }
}

</mosaic_0001>

<sc_bundles>
// kernel: kernel.5.cloned.1.call-start
scs
__scs_entry_jumppad:
0x0: {  	(pc) =	sbr.rel $0x88, $3  }
0x1: {  	(tag) =	ssettag $0x0;
	lr =	simm.s32 $0x1  }
0x2: {  	[smem:$0x3F9F] =	sst lr;
	_ =	strace $0xD0000000  }
0x3: {  	_ = 	snop  }
0x4: {  	_ = 	snop  }
0x5: {  	_ = 	snop  }
0x6: {  	_ = 	snop  }
0x7: {  	_ = 	snop  }
__scs_overlays_trampoline_lowered:
0x8: {  	[smem:$0x3FAE] =	sst s0  }
0x9: {  	[smem:$0x3FAF] =	sst s1  }
0xa: {  	[smem:$0x3FB0] =	sst s2  }
0xb: {  	[smem:$0x3FB1] =	sst s3  }
0xc: {  	[smem:$0x3FB2] =	sst s4  }
0xd: {  	[smem:$0x3FB3] =	sst s5  }
0xe: {  	[smem:$0x3FB4] =	sst s6  }
0xf: {  	[smem:$0x3FB5] =	sst s7  }
0x10: {  	[smem:$0x3FB6] =	sst s8  }
0x11: {  	[smem:$0x3FB7] =	sst s9;
	s0 =	simm.s32 @!p0 $0x0  }
0x12: {  	s1 =	sld [smem:$0x3F9D];
	s0 =	simm.s32 @p0 $0x1  }
0x13: {  	[smem:$0x3FB8] =	sst s0;
	s0 =	simm.s32 @!p1 $0x0  }
0x14: {  	s2 =	sld [smem:$0x3F9C];
	s0 =	simm.s32 @p1 $0x1  }
0x15: {  	[smem:$0x3FB9] =	sst s0;
	s0 =	simm.s32 @!p2 $0x0  }
0x16: {  	s3 =	sld [smem:$0x3FDB];
	s0 =	simm.s32 @p2 $0x1  }
0x17: {  	s4 =	simm.s32 $0x1BF5;
	[smem:$0x3FBB] =	sst s0  }
0x18: {  	s0 =	sld [smem:$0x3F9E];
	_ =	swait.ge [sflag:s4], $0x0  }
0x19: {  	s7 =	sld [smem:$0x3F9F]  }
0x1a: {  	s8 =	sadd.s32 $0xFFFFE003, lr  }
0x1b: {  	s9 =	sadd.s32 $0xFFFFFEF7, lr;
	s5 =	simm.s32 $0xFFFFFFFF;
	p2 =	slt.u32 s8, $0xFFFFF086  }
0x1c: {  	p1 =	slt.u32 s9, $0xF7A;
	s5 =	simm.s32 @!p2 $0x0  }
0x1d: {  	s5 =	simm.s32 @p1 $0x1;
	p0 =	seq.s32 s7, s2  }
0x1e: {  	s7 =	smul.u32 @!p0 $0xF7A, s2;
	p2 =	seq.s32 @!p0 s5, $0x0  }
0x1f: {  	s9 =	smul.u32 $0xF7A, s1;
	s8 =	simm.s32 @!p0 $0x1BF5;
	p2 =	por !p2, p0  }
0x20: {  	[sflag:s8] =	ssyncset.s32 @!p0 $0xFFFFF086;
	s6 =	sadd.s32 @!p0 s3, s7;
	s7 =	simm.s32 @!p0 $0x108  }
0x21: {  	s3 =	sadd.s32 s3, s9;
	s6 =	sadd.s32 @!p0 $0x88, s6;
	s7 =	simm.s32 @p2 $0x1082  }
0x22: {  	[simem:s7], [sflag:s8] =	dma.local @!p0 [hbm:s6], $0xF7A  }
0x23: {  	s9 =	sor.u32 $0xD0000000, s2;
	s6 =	simm.s32 $0x108;
	_ =	swait.ge @!p0 [sflag:s8], $0x0  }
0x24: {  	s3 =	sadd.s32 $0x88, s3;
	s6 =	simm.s32 @!p1 $0x1082;
	[sflag:s4] =	ssyncset.s32 $0xFFFFF086  }
0x25: {  	[simem:s6], [sflag:s4] =	dma.local [hbm:s3], $0xF7A  }
0x26: {  	[smem:$0x3F9F] =	sst s1;
	(tag) =	ssettag s2;
	_ =	strace s9  }
0x27: {  	s1 =	sld [smem:$0x3FAF]  }
0x28: {  	s2 =	sld [smem:$0x3FB0]  }
0x29: {  	s4 =	sld [smem:$0x3FB2]  }
0x2a: {  	p0 =	seq.s32 s5, $0x0;
	s5 =	sld [smem:$0x3FB3]  }
0x2b: {  	s6 =	sld [smem:$0x3FB4]  }
0x2c: {  	s7 =	sld [smem:$0x3FB5]  }
0x2d: {  	s3 =	simm.s32 $0x108;
	s8 =	sld [smem:$0x3FB6]  }
0x2e: {  	s3 =	simm.s32 @!p0 $0x1082;
	s9 =	sld [smem:$0x3FB7]  }
0x2f: {  	lr =	sadd.s32 s0, s3;
	s0 =	sld [smem:$0x3FAE]  }
0x30: {  	s3 =	sld [smem:$0x3FB1]  }
0x31: {  	[smem:$0x3FBA] =	sst s10  }
0x32: {  	s10 =	sld [smem:$0x3FB8];
	_ =	sdelay $0x3  }
0x33: {  	p0 =	seq.s32 s10, $0x1;
	s10 =	sld [smem:$0x3FBA];
	_ =	sdelay $0x3  }
0x34: {  	[smem:$0x3FBA] =	sst s10  }
0x35: {  	s10 =	sld [smem:$0x3FB9];
	_ =	sdelay $0x3  }
0x36: {  	p1 =	seq.s32 s10, $0x1;
	s10 =	sld [smem:$0x3FBA];
	_ =	sdelay $0x3  }
0x37: {  	[smem:$0x3FBA] =	sst s10  }
0x38: {  	s10 =	sld [smem:$0x3FBB]  }
0x39: {  	_ = 	snop;
	(pc) =	sbr.ind lr, $3  }
0x3a: {  	_ = 	snop  }
0x3b: {  	_ = 	snop  }
0x3c: {  	p2 =	seq.s32 s10, $0x1;
	s10 =	sld [smem:$0x3FBA]  }
0x3d: {  	_ =	shalt  }
0x3e: {  	_ =	shalt  }
0x3f: {  	_ =	shalt  }
0x40: {  	_ =	shalt  }
0x41: {  	_ =	shalt  }
0x42: {  	_ =	shalt  }
0x43: {  	_ =	shalt  }
0x44: {  	_ =	shalt  }
0x45: {  	_ =	shalt  }
0x46: {  	_ =	shalt  }
0x47: {  	_ =	shalt  }
0x48: {  	_ =	shalt  }
0x49: {  	_ =	shalt  }
0x4a: {  	_ =	shalt  }
0x4b: {  	_ =	shalt  }
0x4c: {  	_ =	shalt  }
0x4d: {  	_ =	shalt  }
0x4e: {  	_ =	shalt  }
0x4f: {  	_ =	shalt  }
0x50: {  	_ =	shalt  }
0x51: {  	_ =	shalt  }
0x52: {  	_ =	shalt  }
0x53: {  	_ =	shalt  }
0x54: {  	_ =	shalt  }
0x55: {  	_ =	shalt  }
0x56: {  	_ =	shalt  }
0x57: {  	_ =	shalt  }
0x58: {  	_ =	shalt  }
0x59: {  	_ =	shalt  }
0x5a: {  	_ =	shalt  }
0x5b: {  	_ =	shalt  }
0x5c: {  	_ =	shalt  }
0x5d: {  	_ =	shalt  }
0x5e: {  	_ =	shalt  }
0x5f: {  	_ =	shalt  }
0x60: {  	_ =	shalt  }
0x61: {  	_ =	shalt  }
0x62: {  	_ =	shalt  }
0x63: {  	_ =	shalt  }
0x64: {  	_ =	shalt  }
0x65: {  	_ =	shalt  }
0x66: {  	_ =	shalt  }
0x67: {  	_ =	shalt  }
0x68: {  	_ =	shalt  }
0x69: {  	_ =	shalt  }
0x6a: {  	_ =	shalt  }
0x6b: {  	_ =	shalt  }
0x6c: {  	_ =	shalt  }
0x6d: {  	_ =	shalt  }
0x6e: {  	_ =	shalt  }
0x6f: {  	_ =	shalt  }
0x70: {  	_ =	shalt  }
0x71: {  	_ =	shalt  }
0x72: {  	_ =	shalt  }
0x73: {  	_ =	shalt  }
0x74: {  	_ =	shalt  }
0x75: {  	_ =	shalt  }
0x76: {  	_ =	shalt  }
0x77: {  	_ =	shalt  }
0x78: {  	_ =	shalt  }
0x79: {  	_ =	shalt  }
0x7a: {  	_ =	shalt  }
0x7b: {  	_ =	shalt  }
0x7c: {  	_ =	shalt  }
0x7d: {  	_ =	shalt  }
0x7e: {  	_ =	shalt  }
0x7f: {  	_ =	shalt  }
0x80: {  	_ =	shalt  }
0x81: {  	_ =	shalt  }
0x82: {  	_ =	shalt  }
0x83: {  	_ =	shalt  }
0x84: {  	_ =	shalt  }
0x85: {  	_ =	shalt  }
0x86: {  	_ =	shalt  }
0x87: {  	_ =	shalt  }
.Lfunc_end0:
.L_simem_size_0:
called_computation_lowered:
.L_overlay_start_0:
0x88: {  	s2 =	sld [smem:$0x3FD9]  }
0x89: {  	s3 =	sld [smem:$0x3FFE];
	_ =	sdelay $0x1  }
0x8a: {  	s1 =	srdreg.scid  }
0x8b: {  	s0 =	sand.u32 $0x1, s1  }
0x8c: {  	s14 =	sshll.u32 s0, $0xA;
	s2 =	sadd.s32 s3, s2  }
0x8d: {  	s2 =	sadd.s32 s2, s14  }
0x8e: {  	[smem:$0x3FC6] =	sst s2  }
0x8f: {  	_ = 	snop  }
0x90: {  	s2 =	sld [smem:$0x3FD0];
	_ =	sdelay $0x2  }
0x91: {  	s15 =	simm.s32 $0xA;
	s4 =	simm.s32 $0x10  }
0x92: {  	[smem:s4], [sflag:s15] =	dma.local [hbm:s2], $0x1  }
0x93: {  	_ =	swait.eq [sflag:s15], $0x1  }
0x94: {  	[sflag:s15] =	ssyncset.done $0x0  }
0x95: {  	[sflag:s15] =	ssyncadd.s32 $0xFFFFFFFF  }
0x96: {  	s16 =	sld [smem:$0x11];
	(tm) =	ssettm $0x1  }
0x97: {  	s17 =	sld [smem:$0x3FFB];
	_ =	sdelay $0x3  }
0x98: {  	_ =	strace s17  }
0x99: {  	s3 =	sld [smem:$0x3FFC];
	_ =	sdelay $0x3  }
0x9a: {  	_ =	strace s3  }
0x9b: {  	s3 =	sld [smem:$0x3FFD];
	_ =	sdelay $0x3  }
0x9c: {  	_ =	strace s3  }
0x9d: {  	_ =	strace $0x8FFFFFFF  }
0x9e: {  	s18 =	sld [smem:$0x3FDB];
	_ =	sdelay $0x1  }
0x9f: {  	s19 =	simm.s32 $_scs_section_size  }
0xa0: {  	s5 =	simm.s32 $_size__tile_overlayer_lowered;
	s6 =	simm.s32 $_tile_overlayer_lowered  }
0xa1: {  	s22 =	simm.s32 $0x1BFF;
	s21 =	sshll.u32 s6, $0x1;
	s3 =	sadd.s32 s19, s18  }
0xa2: {  	s7 =	simm.s32 $0x0;
	s20 =	sshll.u32 s5, $0x1;
	s5 =	sadd.s32 s21, s3  }
0xa3: {  	[timem:s7], [sflag:s22] =	dma.local [hbm:s5], s20  }
0xa4: {  	_ =	swait.ge [sflag:s22], s20  }
0xa5: {  	s4 =	ssub.s32 $0x0, s20;
	[sflag:s22] =	ssyncset.done $0x0  }
0xa6: {  	[sflag:s22] =	ssyncadd.s32 s4;
	_ =	sdelay $0x1  }
0xa7: {  	s23 =	simm.s32 $0x1B8B  }
0xa8: {  	_ =	swait.ge [sflag:s23], $0x1  }
0xa9: {  	[sflag:s23] =	ssyncset.done $0x0  }
0xaa: {  	s25 =	simm.s32 $0x1B8E;
	s24 =	sld [smem:$0x3FFE];
	[sflag:s23] =	ssyncadd.s32 $0xFFFFFFFF  }
0xab: {  	s26 =	simm.s32 $execute0_lowered;
	[smem:$0x3FD2] =	sst s25  }
0xac: {  	s5 =	sshll.u32 s26, $0x1;
	_ =	strace $0x80000046;
	[dreg:$0x1] =	wrdreg $0xFFFFFFFF  }
0xad: {  	s28 =	simm.s32 $_size_execute0_lowered;
	s3 =	sadd.s32 s3, s5;
	[dreg:$0x0] =	wrdreg $0x0  }
0xae: {  	s5 =	sshll.u32 s28, $0x1;
	[dreg:$0x2] =	wrdreg s3  }
0xaf: {  	[dreg:$0x3] =	wrdreg s5  }
0xb0: {  	[dreg:$0x4] =	wrdreg $0xC0  }
0xb1: {  	_ =	task [dreg:s7], $0x5FFFF  }
0xb2: {  	[dreg:$0x1] =	wrdreg $0xFFFFFFFF  }
0xb3: {  	[dreg:$0x0] =	wrdreg $0x60  }
0xb4: {  	[dreg:$0x2] =	wrdreg s24  }
0xb5: {  	[dreg:$0x3] =	wrdreg s16  }
0xb6: {  	[dreg:$0x4] =	wrdreg $0x9  }
0xb7: {  	_ =	task.clear_ibuf [dreg:s7], $0x5FFFF;
	_ =	strace $0x90000046  }
0xb8: {  	s29 =	simm.s32 $0x9;
	_ =	strace $0x80000048  }
0xb9: {  	_ =	swait.ge [sflag:s29], $0x1  }
0xba: {  	[sflag:s29] =	ssyncadd.s32 $0xFFFFFFFF  }
0xbb: {  	_ =	strace $0x90000048  }
0xbc: {  	_ =	sfence  }
0xbd: {  	s30 =	sld [smem:$0x0];
	_ =	sdelay $0x2  }
0xbe: {  	s31 =	sshll.u32 s1, $0xD;
	s1 =	sshrl.u32 s1, $0x2  }
0xbf: {  	s3 =	sand.u32 $0x4000, s31;
	s1 =	sadd.s32 s1, s30  }
0xc0: {  	s0 =	sor.u32 s3, s0;
	s1 =	sshll.u32 s1, $0x11  }
0xc1: {  	s0 =	sor.u32 s1, s0  }
0xc2: {  	s0 =	sadd.s32 $0x8F2B, s0  }
0xc3: {  	[sflag:s0] =	ssyncadd.remote.s32 $0x1  }
0xc4: {  	_ =	sfence.sel $0xFFFF  }
0xc5: {  	[dreg:$0x0] =	wrdreg $0xFFFFFFFF;
	(pc) =	sbr.abs _section_cstart, $3  }
0xc6: {  	[dreg:$0x1] =	wrdreg $0xFFFFFFFF  }
0xc7: {  	_ =	task.clear_ibuf [dreg:s7], $0x2FFFF;
	_ =	strace $0x9FFFFFFF  }
0xc8: {  	(tm) =	ssettm $0x7FFFFFFF  }
0xc9: {  	_ =	shalt  }
tec
execute0_lowered:
.L_overlay_start_1:
0x0: {  	(tag) =	ssettag $0x1  }
0x1: {  	s1 =	srdreg.scid  }
0x2: {  	s8 =	rddreg [dreg:$0x0];
	s0 =	stileid.u32  }
0x3: {  	s3 =	rddreg [dreg:$0x1];
	s2 =	simm.s32 $0x0;
	s6 =	sand.u32 $0x1, s1  }
0x4: {  	s4 =	sshll.u32 s0, $0xA;
	s1 =	rddreg [dreg:$0x2];
	s5 =	sshll.u32 s6, $0x9  }
0x5: {  	s7 =	simm.s32 $0x1;
	[smem:$0x7FF] =	sst s2;
	s9 =	sor.u32 s5, s4  }
0x6: {  	_ =	strace $0x80000047;
	s10 =	ssub.s32 $0x2, s6;
	s4 =	sshrl.u32 s9, $0x3  }
0x7: {  	s6 =	simm.s32 $0x200;
	s4 =	sadd.s32 s3, s4;
	s3 =	simm.s32 $0x2  }
0x8: {  	[tilespmem:s2], [sflag:$0x2] =	stream.linear.gather [hbm4b:s4+s2], $0x200, $0x38;
	[tilespmem:$0x10200] =	vst v63  }
0x9: {  	s5 =	sadd.s32 $0x40C00, s8;
	s11 =	sshrl.u32 s10, $0x1;
	_ =	swait.ge [sflag:s3], $0x200  }
0xa: {  	s9 =	sshll.u32 s9, $0x4;
	s31 =	ssub.s32 s10, s11;
	[sflag:s3] =	ssyncset.done $0x0  }
0xb: {  	s8 =	sadd.s32 s9, s8;
	s9 =	smax.u32 s31, $0x1;
	[sflag:s3] =	ssyncadd.s32 $0xFFFFFE00  }
0xc: {  	[tilespmem:s6], [sflag:$0x1] =	stream.indirect.gather [hbm4b:s5+s6], $0x80, s2, s6, $0xb8;
	[tilespmem:$0x10200] =	vst v63  }
0xd: {  	p0 =	sne.s32 s9, $0x1;
	_ =	swait.ge [sflag:s7], $0x10000  }
.Ltmp0:
0xe: {  	[sflag:s7] =	ssyncset.done $0x0;
	(pc) =	sbr.rel @!p0 .LBB2_2-.Ltmp0, $4  }
0xf: {  	s8 =	sadd.s32 $0x80C00, s8;
	[sflag:s7] =	ssyncadd.s32 $0xFFFF0000  }
0x10: {  	[hbm4b:s8+s2] =	stream.linear.scatter [tilespmem:s6], [sflag:$0x2], $0x10000, $0x38;
	[tilespmem:$0x10200] =	vst v63  }
0x11: {  	_ =	swait.ge [sflag:s3], $0x10000  }
0x12: {  	s9 =	sadd.s32 $0xFFFFFFFF, s9;
	[sflag:s3] =	ssyncset.done $0x0  }
.LBB2_1:
0x13: {  	p0 =	sne.s32 s9, $0x1;
	s9 =	sadd.s32 $0xFFFFFFFF, s9;
	[sflag:s3] =	ssyncadd.s32 $0xFFFF0000  }
0x14: {  	[tilespmem:s2], [sflag:$0x2] =	stream.linear.gather [hbm4b:s4+s2], $0x200, $0x38;
	[tilespmem:$0x10200] =	vst v63  }
0x15: {  	_ =	swait.ge [sflag:s3], $0x200  }
0x16: {  	[sflag:s3] =	ssyncset.done $0x0  }
0x17: {  	[sflag:s3] =	ssyncadd.s32 $0xFFFFFE00  }
0x18: {  	[tilespmem:s6], [sflag:$0x1] =	stream.indirect.gather [hbm4b:s5+s6], $0x80, s2, s6, $0xb8;
	[tilespmem:$0x10200] =	vst v63  }
0x19: {  	_ =	swait.ge [sflag:s7], $0x10000  }
.Ltmp1:
0x1a: {  	[sflag:s7] =	ssyncset.done $0x0;
	(pc) =	sbr.rel @p0 .LBB2_1-.Ltmp1, $4  }
0x1b: {  	[sflag:s7] =	ssyncadd.s32 $0xFFFF0000  }
0x1c: {  	[hbm4b:s8+s2] =	stream.linear.scatter [tilespmem:s6], [sflag:$0x2], $0x10000, $0x38;
	[tilespmem:$0x10200] =	vst v63  }
0x1d: {  	_ =	swait.ge [sflag:s3], $0x10000  }
0x1e: {  	[sflag:s3] =	ssyncset.done $0x0  }
.LBB2_2:
0x1f: {  	[sflag:s3] =	ssyncadd.s32 $0xFFFF0000  }
0x20: {  	_ =	sfence.sel $0x180000  }
0x21: {  	[bflag:$0x0] =	sbarrier.arrive $0xFFFF  }
0x22: {  	p0 =	sne.s32 s0, $0x0;
	_ =	strace $0x90000047  }
0x23: {  	s0 =	sadd.s32 @!p0 $0x100000, s1;
	[bflag:$0x2] =	sbarrier.arrive $0xFFFF  }
0x24: {  	[sflag:s0] =	ssyncadd.tile.s32 @!p0 $0x1;
	_ =	shalt  }
.Lfunc_end2:
_tile_overlayer_lowered:
.L_overlay_start_2:
0x25: {  	(tag) =	ssettag $0x2  }
0x26: {  	s0 =	rddreg [dreg:$0x0];
	s2 =	stileid.u32  }
0x27: {  	s1 =	rddreg [dreg:$0x1];
	p0 =	sne.s32 s2, $0x0  }
0x28: {  	s3 =	rddreg [dreg:$0x2];
	[bflag:$0x3] =	sbarrier.arrive $0xFFFF;
	s2 =	simm.s32 @!p0 $0x1C02  }
0x29: {  	[timem:s3], [sflag:s2] =	dma.local @!p0 [hbm:s0], s1  }
0x2a: {  	s0 =	simm.s32 @!p0 $0x2  }
0x2b: {  	_ =	swait.ge @!p0 [sflag:s0], s1  }
0x2c: {  	s1 =	ssub.s32 @!p0 $0x0, s1;
	[sflag:s0] =	ssyncset.done @!p0 $0x0  }
0x2d: {  	[sflag:s0] =	ssyncadd.s32 @!p0 s1  }
0x2e: {  	[bflag:$0x3] =	sbarrier.arrive $0xFFFF  }
0x2f: {  	_ =	shalt  }

</sc_bundles>
